<compile_context>
chip_gen: v7x
topology: tpu7x:2x2x1
jax: 0.10.2.dev20260603
libtpu: 0.0.44.dev20260713+nightly
codegen_flags: <defaults>
</compile_context>

<pallas_src>
import functools

import jax
import jax.numpy as jnp
from jax import lax
from jax.experimental import pallas as pl
from jax.experimental.pallas import tpu as pltpu
from jax.experimental.pallas import tpu_sc as plsc

N = 10000
D = 128
E = 320000

NC = 2
NS = 16
NW = NC * NS
L = 16

K = 128
EPW = E // NW
CH = -(-EPW // K)
EPW_PAD = CH * K
E_PAD = EPW_PAD * NW

N_PAD = 10240
RPT = N_PAD // NS

_mesh = plsc.VectorSubcoreMesh(core_axis_name="c", subcore_axis_name="s")


@functools.partial(
    pl.kernel,
    mesh=_mesh,
    out_type=jax.ShapeDtypeStruct((NC, N_PAD, D), jnp.float32),
    scratch_types=[
        pltpu.VMEM((CH, K), jnp.int32),
        pltpu.VMEM((CH, K), jnp.int32),
        pltpu.VMEM((K, D), jnp.float32),
        pltpu.VMEM_SHARED((N_PAD, D), jnp.float32),
        pltpu.SemaphoreType.DMA,
    ],
)
def _sc_agg(x_hbm, pk_hbm, out_hbm, src_v, dst_v, rows_v, agg_sh, sem):
    c = lax.axis_index("c")
    s = lax.axis_index("s")
    wid = c * NS + s

    zero16 = jnp.zeros((L,), jnp.float32)

    def _zrow(r, carry):
        for col in range(D // L):
            rows_v[r, pl.ds(col * L, L)] = zero16
        return carry

    lax.fori_loop(0, K, _zrow, 0)
    base = s * RPT
    for kcp in range(RPT // K):
        pltpu.sync_copy(rows_v, agg_sh.at[pl.ds(base + kcp * K, K)])

    pltpu.sync_copy(pk_hbm.at[wid], src_v)

    def _unpack(j, carry):
        for v in range(K // L):
            pk = src_v[j, pl.ds(v * L, L)]
            dst_v[j, pl.ds(v * L, L)] = lax.bitwise_and(pk, 0xFFFF)
            src_v[j, pl.ds(v * L, L)] = lax.shift_right_logical(pk, 16)
        return carry

    lax.fori_loop(0, CH, _unpack, 0)
    plsc.subcore_barrier()

    def _chunk(j, carry):
        pltpu.async_copy(x_hbm.at[src_v.at[j]], rows_v, sem).wait()
        pltpu.sync_copy(rows_v, agg_sh.at[dst_v.at[j]], add=True)
        return carry

    lax.fori_loop(0, CH, _chunk, 0)
    plsc.subcore_barrier()

    pltpu.sync_copy(agg_sh.at[pl.ds(base, RPT)], out_hbm.at[c, pl.ds(base, RPT)])


BLK = 10000


def _tc_body(x_ref, p_ref, w_ref, b_ref, o_ref):
    h = x_ref[...] + p_ref[0] + p_ref[1]
    y = jnp.dot(h, w_ref[...], preferred_element_type=jnp.float32)
    o_ref[...] = jnp.tanh(y + b_ref[...])


_tc_apply = pl.pallas_call(
    _tc_body,
    grid=(N // BLK,),
    in_specs=[
        pl.BlockSpec((BLK, D), lambda i: (i, 0)),
        pl.BlockSpec((NC, BLK, D), lambda i: (0, i, 0)),
        pl.BlockSpec((D, D), lambda i: (0, 0)),
        pl.BlockSpec((1, D), lambda i: (0, 0)),
    ],
    out_specs=pl.BlockSpec((BLK, D), lambda i: (i, 0)),
    out_shape=jax.ShapeDtypeStruct((N, D), jnp.float32),
)


def kernel(node_inputs, edge_index, W, b):
    e = edge_index.astype(jnp.int32)
    pad = E_PAD - E
    packed = jnp.left_shift(e[0], 16) | e[1]
    packed = jnp.concatenate([packed, jnp.full((pad,), N, jnp.int32)])
    pk3 = packed.reshape(NW, CH, K)
    partials = _sc_agg(node_inputs, pk3)
    return _tc_apply(node_inputs, partials, W, b.reshape(1, D))

# --- scband reference (transcript-rebuilt; emitter-appended) ---
"""Pipeline reference for scband-gin-15616501088825 (READ-ONLY COPY).

The authoritative reference and input builder live on the scoring server;
editing this copy changes nothing except your own understanding.
"""

import jax, jax.numpy as jnp
import numpy as np

N_NODES = 10000
N_EDGES = 320000
D_IN = 128
D_OUT = 128


def setup_inputs(seed: int = 0) -> dict:
    key = jax.random.key(seed)
    k1, k2, k3, k4 = jax.random.split(key, 4)
    node_inputs = jax.random.normal(k1, (N_NODES, D_IN), dtype=jnp.float32)
    edge_index = jax.random.randint(k2, (2, N_EDGES), 0, N_NODES, dtype=jnp.int64)
    # Linear layer params (apply_func of GINConv): PyTorch nn.Linear default init
    bound = 1.0 / np.sqrt(D_IN)
    W = jax.random.uniform(k3, (D_IN, D_OUT), minval=-bound, maxval=bound, dtype=jnp.float32)
    b = jax.random.uniform(k4, (D_OUT,), minval=-bound, maxval=bound, dtype=jnp.float32)
    return {"node_inputs": node_inputs, "edge_index": edge_index, "W": W, "b": b}


def reference(node_inputs, edge_index, W, b):
    # DGL GINConv with default aggregator 'sum' and eps=0:
    #   h_v = apply_func((1 + eps) * x_v + sum_{u in N(v)} x_u)
    src = edge_index[0]
    dst = edge_index[1]
    # gather source node features, scatter-add into destination nodes
    agg = jnp.zeros((N_NODES, D_IN), dtype=node_inputs.dtype).at[dst].add(node_inputs[src])
    h = (1.0 + 0.0) * node_inputs + agg
    # apply_func = nn.Linear(in_feats, out_feats)
    h = h @ W + b
    # activation
    h = jnp.tanh(h)
    # dropout is identity in eval/inference mode
    return h

if __name__ == "__main__":
    import jax
    _d = setup_inputs()
    print(jax.jit(kernel)(*tuple(_d.values())))

</pallas_src>

<mosaic_0001>
#map = affine_map<(d0, d1) -> (0, 0)>
#map1 = affine_map<(d0, d1) -> (0, 0, 0)>
module attributes {stable_mosaic.version = 14 : i64} {
  func.func @_sc_agg(%arg0: i32, %arg1: i32, %arg2: memref<10000x128xf32, #tpu.memory_space<hbm>>, %arg3: memref<32x79x128xi32, #tpu.memory_space<hbm>>, %arg4: memref<2x10240x128xf32, #tpu.memory_space<hbm>>, %arg5: memref<79x128xi32, #tpu.memory_space<vmem>>, %arg6: memref<79x128xi32, #tpu.memory_space<vmem>>, %arg7: memref<128x128xf32, #tpu.memory_space<vmem>>, %arg8: memref<10240x128xf32, #tpu.memory_space<vmem_shared>>, %arg9: memref<!tpu.dma_semaphore, #tpu.memory_space<semaphore_mem>>) attributes {dimension_semantics = [#tpu.dimension_semantics<core_parallel>, #tpu.dimension_semantics<subcore_parallel>], iteration_bounds = array<i64: 2, 16>, scalar_prefetch = 0 : i64, scratch_operands = 5 : i64, tpu.core_type = #tpu.core_type<sc_vector_subcore>, window_params = [{transform_indices = #map}, {transform_indices = #map1}, {transform_indices = #map1}]} {
    %mul3A = arith.constant 16 : i32
    %mul3A_0 = arith.muli %arg0, %mul3A : i32
    %add3A = arith.addi %mul3A_0, %arg1 : i32
    %broadcast_in_dim3A = arith.constant 0.000000e+00 : f32
    %broadcast_in_dim3A_1 = vector.broadcast %broadcast_in_dim3A : f32 to vector<16xf32>
    %scan3A = arith.constant 0 : i32
    %scan3A_2 = arith.constant 0 : i32
    %scan3A_3 = arith.constant 128 : i32
    %scan3A_4 = arith.addi %scan3A_2, %scan3A_3 : i32
    %scan3A_5 = arith.constant 1 : i32
    scf.for %scan3A_32 = %scan3A_2 to %scan3A_4 step %scan3A_5  : i32 {
      %swap3A = arith.index_cast %scan3A_32 : i32 to index
      %swap3A_33 = arith.constant 0 : index
      %swap3A_34 = tpu.vector_load %arg7[%swap3A, %swap3A_33] {strides = array<i32>} : memref<128x128xf32, #tpu.memory_space<vmem>>, vector<1x16xf32>,
      %swap3A_35 = vector.shape_cast %swap3A_34 : vector<1x16xf32> to vector<16xf32>
      %swap3A_36 = vector.shape_cast %broadcast_in_dim3A_1 : vector<16xf32> to vector<1x16xf32>
      tpu.vector_store %arg7[%swap3A, %swap3A_33], %swap3A_36 {strides = array<i32>} : memref<128x128xf32, #tpu.memory_space<vmem>>, vector<1x16xf32>,
      %swap3A_37 = arith.index_cast %scan3A_32 : i32 to index
      %swap3A_38 = arith.constant 16 : index
      %swap3A_39 = tpu.vector_load %arg7[%swap3A_37, %swap3A_38] {strides = array<i32>} : memref<128x128xf32, #tpu.memory_space<vmem>>, vector<1x16xf32>,
      %swap3A_40 = vector.shape_cast %swap3A_39 : vector<1x16xf32> to vector<16xf32>
      %swap3A_41 = vector.shape_cast %broadcast_in_dim3A_1 : vector<16xf32> to vector<1x16xf32>
      tpu.vector_store %arg7[%swap3A_37, %swap3A_38], %swap3A_41 {strides = array<i32>} : memref<128x128xf32, #tpu.memory_space<vmem>>, vector<1x16xf32>,
      %swap3A_42 = arith.index_cast %scan3A_32 : i32 to index
      %swap3A_43 = arith.constant 32 : index
      %swap3A_44 = tpu.vector_load %arg7[%swap3A_42, %swap3A_43] {strides = array<i32>} : memref<128x128xf32, #tpu.memory_space<vmem>>, vector<1x16xf32>,
      %swap3A_45 = vector.shape_cast %swap3A_44 : vector<1x16xf32> to vector<16xf32>
      %swap3A_46 = vector.shape_cast %broadcast_in_dim3A_1 : vector<16xf32> to vector<1x16xf32>
      tpu.vector_store %arg7[%swap3A_42, %swap3A_43], %swap3A_46 {strides = array<i32>} : memref<128x128xf32, #tpu.memory_space<vmem>>, vector<1x16xf32>,
      %swap3A_47 = arith.index_cast %scan3A_32 : i32 to index
      %swap3A_48 = arith.constant 48 : index
      %swap3A_49 = tpu.vector_load %arg7[%swap3A_47, %swap3A_48] {strides = array<i32>} : memref<128x128xf32, #tpu.memory_space<vmem>>, vector<1x16xf32>,
      %swap3A_50 = vector.shape_cast %swap3A_49 : vector<1x16xf32> to vector<16xf32>
      %swap3A_51 = vector.shape_cast %broadcast_in_dim3A_1 : vector<16xf32> to vector<1x16xf32>
      tpu.vector_store %arg7[%swap3A_47, %swap3A_48], %swap3A_51 {strides = array<i32>} : memref<128x128xf32, #tpu.memory_space<vmem>>, vector<1x16xf32>,
      %swap3A_52 = arith.index_cast %scan3A_32 : i32 to index
      %swap3A_53 = arith.constant 64 : index
      %swap3A_54 = tpu.vector_load %arg7[%swap3A_52, %swap3A_53] {strides = array<i32>} : memref<128x128xf32, #tpu.memory_space<vmem>>, vector<1x16xf32>,
      %swap3A_55 = vector.shape_cast %swap3A_54 : vector<1x16xf32> to vector<16xf32>
      %swap3A_56 = vector.shape_cast %broadcast_in_dim3A_1 : vector<16xf32> to vector<1x16xf32>
      tpu.vector_store %arg7[%swap3A_52, %swap3A_53], %swap3A_56 {strides = array<i32>} : memref<128x128xf32, #tpu.memory_space<vmem>>, vector<1x16xf32>,
      %swap3A_57 = arith.index_cast %scan3A_32 : i32 to index
      %swap3A_58 = arith.constant 80 : index
      %swap3A_59 = tpu.vector_load %arg7[%swap3A_57, %swap3A_58] {strides = array<i32>} : memref<128x128xf32, #tpu.memory_space<vmem>>, vector<1x16xf32>,
      %swap3A_60 = vector.shape_cast %swap3A_59 : vector<1x16xf32> to vector<16xf32>
      %swap3A_61 = vector.shape_cast %broadcast_in_dim3A_1 : vector<16xf32> to vector<1x16xf32>
      tpu.vector_store %arg7[%swap3A_57, %swap3A_58], %swap3A_61 {strides = array<i32>} : memref<128x128xf32, #tpu.memory_space<vmem>>, vector<1x16xf32>,
      %swap3A_62 = arith.index_cast %scan3A_32 : i32 to index
      %swap3A_63 = arith.constant 96 : index
      %swap3A_64 = tpu.vector_load %arg7[%swap3A_62, %swap3A_63] {strides = array<i32>} : memref<128x128xf32, #tpu.memory_space<vmem>>, vector<1x16xf32>,
      %swap3A_65 = vector.shape_cast %swap3A_64 : vector<1x16xf32> to vector<16xf32>
      %swap3A_66 = vector.shape_cast %broadcast_in_dim3A_1 : vector<16xf32> to vector<1x16xf32>
      tpu.vector_store %arg7[%swap3A_62, %swap3A_63], %swap3A_66 {strides = array<i32>} : memref<128x128xf32, #tpu.memory_space<vmem>>, vector<1x16xf32>,
      %swap3A_67 = arith.index_cast %scan3A_32 : i32 to index
      %swap3A_68 = arith.constant 112 : index
      %swap3A_69 = tpu.vector_load %arg7[%swap3A_67, %swap3A_68] {strides = array<i32>} : memref<128x128xf32, #tpu.memory_space<vmem>>, vector<1x16xf32>,
      %swap3A_70 = vector.shape_cast %swap3A_69 : vector<1x16xf32> to vector<16xf32>
      %swap3A_71 = vector.shape_cast %broadcast_in_dim3A_1 : vector<16xf32> to vector<1x16xf32>
      tpu.vector_store %arg7[%swap3A_67, %swap3A_68], %swap3A_71 {strides = array<i32>} : memref<128x128xf32, #tpu.memory_space<vmem>>, vector<1x16xf32>,
    }
    %scan3A_6 = arith.constant 128 : i32
    %mul3A_7 = arith.constant 640 : i32
    %mul3A_8 = arith.muli %arg1, %mul3A_7 : i32
    %add3A_9 = arith.constant 0 : i32
    %add3A_10 = arith.addi %mul3A_8, %add3A_9 : i32
    "tpu.region"() ({
      %run_scoped3A = tpu.sem_alloc : memref<!tpu.dma_semaphore, #tpu.memory_space<semaphore_mem>>
      %dma_start3A = arith.constant 0 : i32
      %dma_start3A_32 = tpu.memref_slice %arg8[%add3A_10, %dma_start3A] : memref<10240x128xf32, #tpu.memory_space<vmem_shared>> -> memref<128x128xf32, #tpu.memory_space<vmem_shared>>
      %dma_start3A_33 = arith.constant 0 : i32
      %dma_start3A_34 = tpu.memref_slice %arg8[%add3A_10, %dma_start3A_33] : memref<10240x128xf32, #tpu.memory_space<vmem_shared>> -> memref<128x128xf32, #tpu.memory_space<vmem_shared>>
      tpu.enqueue_dma source(%arg7 : memref<128x128xf32, #tpu.memory_space<vmem>>) target(%dma_start3A_34 : memref<128x128xf32, #tpu.memory_space<vmem_shared>>) target_semaphore(%run_scoped3A : memref<!tpu.dma_semaphore, #tpu.memory_space<semaphore_mem>>)
      %dma_wait3A = arith.constant 0 : i32
      %dma_wait3A_35 = tpu.memref_slice %arg8[%add3A_10, %dma_wait3A] : memref<10240x128xf32, #tpu.memory_space<vmem_shared>> -> memref<128x128xf32, #tpu.memory_space<vmem_shared>>
      %dma_wait3A_36 = arith.constant 0 : i32
      %dma_wait3A_37 = tpu.memref_slice %arg8[%add3A_10, %dma_wait3A_36] : memref<10240x128xf32, #tpu.memory_space<vmem_shared>> -> memref<128x128xf32, #tpu.memory_space<vmem_shared>>
      tpu.wait_dma2 semaphore(%run_scoped3A : memref<!tpu.dma_semaphore, #tpu.memory_space<semaphore_mem>>) src(%arg7 : memref<128x128xf32, #tpu.memory_space<vmem>>) dst(%dma_wait3A_37 : memref<128x128xf32, #tpu.memory_space<vmem_shared>>)
      tpu.yield
    }) : () -> ()
    %add3A_11 = arith.constant 128 : i32
    %add3A_12 = arith.addi %mul3A_8, %add3A_11 : i32
    "tpu.region"() ({
      %run_scoped3A = tpu.sem_alloc : memref<!tpu.dma_semaphore, #tpu.memory_space<semaphore_mem>>
      %dma_start3A = arith.constant 0 : i32
      %dma_start3A_32 = tpu.memref_slice %arg8[%add3A_12, %dma_start3A] : memref<10240x128xf32, #tpu.memory_space<vmem_shared>> -> memref<128x128xf32, #tpu.memory_space<vmem_shared>>
      %dma_start3A_33 = arith.constant 0 : i32
      %dma_start3A_34 = tpu.memref_slice %arg8[%add3A_12, %dma_start3A_33] : memref<10240x128xf32, #tpu.memory_space<vmem_shared>> -> memref<128x128xf32, #tpu.memory_space<vmem_shared>>
      tpu.enqueue_dma source(%arg7 : memref<128x128xf32, #tpu.memory_space<vmem>>) target(%dma_start3A_34 : memref<128x128xf32, #tpu.memory_space<vmem_shared>>) target_semaphore(%run_scoped3A : memref<!tpu.dma_semaphore, #tpu.memory_space<semaphore_mem>>)
      %dma_wait3A = arith.constant 0 : i32
      %dma_wait3A_35 = tpu.memref_slice %arg8[%add3A_12, %dma_wait3A] : memref<10240x128xf32, #tpu.memory_space<vmem_shared>> -> memref<128x128xf32, #tpu.memory_space<vmem_shared>>
      %dma_wait3A_36 = arith.constant 0 : i32
      %dma_wait3A_37 = tpu.memref_slice %arg8[%add3A_12, %dma_wait3A_36] : memref<10240x128xf32, #tpu.memory_space<vmem_shared>> -> memref<128x128xf32, #tpu.memory_space<vmem_shared>>
      tpu.wait_dma2 semaphore(%run_scoped3A : memref<!tpu.dma_semaphore, #tpu.memory_space<semaphore_mem>>) src(%arg7 : memref<128x128xf32, #tpu.memory_space<vmem>>) dst(%dma_wait3A_37 : memref<128x128xf32, #tpu.memory_space<vmem_shared>>)
      tpu.yield
    }) : () -> ()
    %add3A_13 = arith.constant 256 : i32
    %add3A_14 = arith.addi %mul3A_8, %add3A_13 : i32
    "tpu.region"() ({
      %run_scoped3A = tpu.sem_alloc : memref<!tpu.dma_semaphore, #tpu.memory_space<semaphore_mem>>
      %dma_start3A = arith.constant 0 : i32
      %dma_start3A_32 = tpu.memref_slice %arg8[%add3A_14, %dma_start3A] : memref<10240x128xf32, #tpu.memory_space<vmem_shared>> -> memref<128x128xf32, #tpu.memory_space<vmem_shared>>
      %dma_start3A_33 = arith.constant 0 : i32
      %dma_start3A_34 = tpu.memref_slice %arg8[%add3A_14, %dma_start3A_33] : memref<10240x128xf32, #tpu.memory_space<vmem_shared>> -> memref<128x128xf32, #tpu.memory_space<vmem_shared>>
      tpu.enqueue_dma source(%arg7 : memref<128x128xf32, #tpu.memory_space<vmem>>) target(%dma_start3A_34 : memref<128x128xf32, #tpu.memory_space<vmem_shared>>) target_semaphore(%run_scoped3A : memref<!tpu.dma_semaphore, #tpu.memory_space<semaphore_mem>>)
      %dma_wait3A = arith.constant 0 : i32
      %dma_wait3A_35 = tpu.memref_slice %arg8[%add3A_14, %dma_wait3A] : memref<10240x128xf32, #tpu.memory_space<vmem_shared>> -> memref<128x128xf32, #tpu.memory_space<vmem_shared>>
      %dma_wait3A_36 = arith.constant 0 : i32
      %dma_wait3A_37 = tpu.memref_slice %arg8[%add3A_14, %dma_wait3A_36] : memref<10240x128xf32, #tpu.memory_space<vmem_shared>> -> memref<128x128xf32, #tpu.memory_space<vmem_shared>>
      tpu.wait_dma2 semaphore(%run_scoped3A : memref<!tpu.dma_semaphore, #tpu.memory_space<semaphore_mem>>) src(%arg7 : memref<128x128xf32, #tpu.memory_space<vmem>>) dst(%dma_wait3A_37 : memref<128x128xf32, #tpu.memory_space<vmem_shared>>)
      tpu.yield
    }) : () -> ()
    %add3A_15 = arith.constant 384 : i32
    %add3A_16 = arith.addi %mul3A_8, %add3A_15 : i32
    "tpu.region"() ({
      %run_scoped3A = tpu.sem_alloc : memref<!tpu.dma_semaphore, #tpu.memory_space<semaphore_mem>>
      %dma_start3A = arith.constant 0 : i32
      %dma_start3A_32 = tpu.memref_slice %arg8[%add3A_16, %dma_start3A] : memref<10240x128xf32, #tpu.memory_space<vmem_shared>> -> memref<128x128xf32, #tpu.memory_space<vmem_shared>>
      %dma_start3A_33 = arith.constant 0 : i32
      %dma_start3A_34 = tpu.memref_slice %arg8[%add3A_16, %dma_start3A_33] : memref<10240x128xf32, #tpu.memory_space<vmem_shared>> -> memref<128x128xf32, #tpu.memory_space<vmem_shared>>
      tpu.enqueue_dma source(%arg7 : memref<128x128xf32, #tpu.memory_space<vmem>>) target(%dma_start3A_34 : memref<128x128xf32, #tpu.memory_space<vmem_shared>>) target_semaphore(%run_scoped3A : memref<!tpu.dma_semaphore, #tpu.memory_space<semaphore_mem>>)
      %dma_wait3A = arith.constant 0 : i32
      %dma_wait3A_35 = tpu.memref_slice %arg8[%add3A_16, %dma_wait3A] : memref<10240x128xf32, #tpu.memory_space<vmem_shared>> -> memref<128x128xf32, #tpu.memory_space<vmem_shared>>
      %dma_wait3A_36 = arith.constant 0 : i32
      %dma_wait3A_37 = tpu.memref_slice %arg8[%add3A_16, %dma_wait3A_36] : memref<10240x128xf32, #tpu.memory_space<vmem_shared>> -> memref<128x128xf32, #tpu.memory_space<vmem_shared>>
      tpu.wait_dma2 semaphore(%run_scoped3A : memref<!tpu.dma_semaphore, #tpu.memory_space<semaphore_mem>>) src(%arg7 : memref<128x128xf32, #tpu.memory_space<vmem>>) dst(%dma_wait3A_37 : memref<128x128xf32, #tpu.memory_space<vmem_shared>>)
      tpu.yield
    }) : () -> ()
    %add3A_17 = arith.constant 512 : i32
    %add3A_18 = arith.addi %mul3A_8, %add3A_17 : i32
    "tpu.region"() ({
      %run_scoped3A = tpu.sem_alloc : memref<!tpu.dma_semaphore, #tpu.memory_space<semaphore_mem>>
      %dma_start3A = arith.constant 0 : i32
      %dma_start3A_32 = tpu.memref_slice %arg8[%add3A_18, %dma_start3A] : memref<10240x128xf32, #tpu.memory_space<vmem_shared>> -> memref<128x128xf32, #tpu.memory_space<vmem_shared>>
      %dma_start3A_33 = arith.constant 0 : i32
      %dma_start3A_34 = tpu.memref_slice %arg8[%add3A_18, %dma_start3A_33] : memref<10240x128xf32, #tpu.memory_space<vmem_shared>> -> memref<128x128xf32, #tpu.memory_space<vmem_shared>>
      tpu.enqueue_dma source(%arg7 : memref<128x128xf32, #tpu.memory_space<vmem>>) target(%dma_start3A_34 : memref<128x128xf32, #tpu.memory_space<vmem_shared>>) target_semaphore(%run_scoped3A : memref<!tpu.dma_semaphore, #tpu.memory_space<semaphore_mem>>)
      %dma_wait3A = arith.constant 0 : i32
      %dma_wait3A_35 = tpu.memref_slice %arg8[%add3A_18, %dma_wait3A] : memref<10240x128xf32, #tpu.memory_space<vmem_shared>> -> memref<128x128xf32, #tpu.memory_space<vmem_shared>>
      %dma_wait3A_36 = arith.constant 0 : i32
      %dma_wait3A_37 = tpu.memref_slice %arg8[%add3A_18, %dma_wait3A_36] : memref<10240x128xf32, #tpu.memory_space<vmem_shared>> -> memref<128x128xf32, #tpu.memory_space<vmem_shared>>
      tpu.wait_dma2 semaphore(%run_scoped3A : memref<!tpu.dma_semaphore, #tpu.memory_space<semaphore_mem>>) src(%arg7 : memref<128x128xf32, #tpu.memory_space<vmem>>) dst(%dma_wait3A_37 : memref<128x128xf32, #tpu.memory_space<vmem_shared>>)
      tpu.yield
    }) : () -> ()
    "tpu.region"() ({
      %run_scoped3A = tpu.sem_alloc : memref<!tpu.dma_semaphore, #tpu.memory_space<semaphore_mem>>
      %dma_start3A = arith.constant 0 : i32
      %dma_start3A_32 = arith.constant 0 : i32
      %dma_start3A_33 = tpu.memref_slice %arg3[%add3A, %dma_start3A, %dma_start3A_32] : memref<32x79x128xi32, #tpu.memory_space<hbm>> -> memref<1x79x128xi32, #tpu.memory_space<hbm>>
      %dma_start3A_34 = tpu.memref_squeeze %dma_start3A_33 : memref<1x79x128xi32, #tpu.memory_space<hbm>> -> memref<79x128xi32, #tpu.memory_space<hbm>>
      %dma_start3A_35 = arith.constant 0 : i32
      %dma_start3A_36 = arith.constant 0 : i32
      %dma_start3A_37 = tpu.memref_slice %arg3[%add3A, %dma_start3A_35, %dma_start3A_36] : memref<32x79x128xi32, #tpu.memory_space<hbm>> -> memref<1x79x128xi32, #tpu.memory_space<hbm>>
      %dma_start3A_38 = tpu.memref_squeeze %dma_start3A_37 : memref<1x79x128xi32, #tpu.memory_space<hbm>> -> memref<79x128xi32, #tpu.memory_space<hbm>>
      tpu.enqueue_dma source(%dma_start3A_38 : memref<79x128xi32, #tpu.memory_space<hbm>>) target(%arg5 : memref<79x128xi32, #tpu.memory_space<vmem>>) target_semaphore(%run_scoped3A : memref<!tpu.dma_semaphore, #tpu.memory_space<semaphore_mem>>)
      %dma_wait3A = arith.constant 0 : i32
      %dma_wait3A_39 = arith.constant 0 : i32
      %dma_wait3A_40 = tpu.memref_slice %arg3[%add3A, %dma_wait3A, %dma_wait3A_39] : memref<32x79x128xi32, #tpu.memory_space<hbm>> -> memref<1x79x128xi32, #tpu.memory_space<hbm>>
      %dma_wait3A_41 = tpu.memref_squeeze %dma_wait3A_40 : memref<1x79x128xi32, #tpu.memory_space<hbm>> -> memref<79x128xi32, #tpu.memory_space<hbm>>
      %dma_wait3A_42 = arith.constant 0 : i32
      %dma_wait3A_43 = arith.constant 0 : i32
      %dma_wait3A_44 = tpu.memref_slice %arg3[%add3A, %dma_wait3A_42, %dma_wait3A_43] : memref<32x79x128xi32, #tpu.memory_space<hbm>> -> memref<1x79x128xi32, #tpu.memory_space<hbm>>
      %dma_wait3A_45 = tpu.memref_squeeze %dma_wait3A_44 : memref<1x79x128xi32, #tpu.memory_space<hbm>> -> memref<79x128xi32, #tpu.memory_space<hbm>>
      tpu.wait_dma2 semaphore(%run_scoped3A : memref<!tpu.dma_semaphore, #tpu.memory_space<semaphore_mem>>) src(%dma_wait3A_45 : memref<79x128xi32, #tpu.memory_space<hbm>>) dst(%arg5 : memref<79x128xi32, #tpu.memory_space<vmem>>)
      tpu.yield
    }) : () -> ()
    %scan3A_19 = arith.constant 0 : i32
    %scan3A_20 = arith.constant 0 : i32
    %scan3A_21 = arith.constant 79 : i32
    %scan3A_22 = arith.addi %scan3A_20, %scan3A_21 : i32
    %scan3A_23 = arith.constant 1 : i32
    scf.for %scan3A_32 = %scan3A_20 to %scan3A_22 step %scan3A_23  : i32 {
      %get3A = arith.index_cast %scan3A_32 : i32 to index
      %get3A_33 = arith.constant 0 : index
      %get3A_34 = tpu.vector_load %arg5[%get3A, %get3A_33] {strides = array<i32>} : memref<79x128xi32, #tpu.memory_space<vmem>>, vector<1x16xi32>,
      %get3A_35 = vector.shape_cast %get3A_34 : vector<1x16xi32> to vector<16xi32>
      %and3A = arith.constant 65535 : i32
      %and3A_36 = vector.broadcast %and3A : i32 to vector<16xi32>
      %and3A_37 = arith.andi %get3A_35, %and3A_36 : vector<16xi32>
      %swap3A = arith.index_cast %scan3A_32 : i32 to index
      %swap3A_38 = arith.constant 0 : index
      %swap3A_39 = tpu.vector_load %arg6[%swap3A, %swap3A_38] {strides = array<i32>} : memref<79x128xi32, #tpu.memory_space<vmem>>, vector<1x16xi32>,
      %swap3A_40 = vector.shape_cast %swap3A_39 : vector<1x16xi32> to vector<16xi32>
      %swap3A_41 = vector.shape_cast %and3A_37 : vector<16xi32> to vector<1x16xi32>
      tpu.vector_store %arg6[%swap3A, %swap3A_38], %swap3A_41 {strides = array<i32>} : memref<79x128xi32, #tpu.memory_space<vmem>>, vector<1x16xi32>,
      %shift_right_logical3A = arith.constant 16 : i32
      %shift_right_logical3A_42 = vector.broadcast %shift_right_logical3A : i32 to vector<16xi32>
      %shift_right_logical3A_43 = arith.shrui %get3A_35, %shift_right_logical3A_42 : vector<16xi32>
      %swap3A_44 = arith.index_cast %scan3A_32 : i32 to index
      %swap3A_45 = arith.constant 0 : index
      %swap3A_46 = tpu.vector_load %arg5[%swap3A_44, %swap3A_45] {strides = array<i32>} : memref<79x128xi32, #tpu.memory_space<vmem>>, vector<1x16xi32>,
      %swap3A_47 = vector.shape_cast %swap3A_46 : vector<1x16xi32> to vector<16xi32>
      %swap3A_48 = vector.shape_cast %shift_right_logical3A_43 : vector<16xi32> to vector<1x16xi32>
      tpu.vector_store %arg5[%swap3A_44, %swap3A_45], %swap3A_48 {strides = array<i32>} : memref<79x128xi32, #tpu.memory_space<vmem>>, vector<1x16xi32>,
      %get3A_49 = arith.index_cast %scan3A_32 : i32 to index
      %get3A_50 = arith.constant 16 : index
      %get3A_51 = tpu.vector_load %arg5[%get3A_49, %get3A_50] {strides = array<i32>} : memref<79x128xi32, #tpu.memory_space<vmem>>, vector<1x16xi32>,
      %get3A_52 = vector.shape_cast %get3A_51 : vector<1x16xi32> to vector<16xi32>
      %and3A_53 = arith.constant 65535 : i32
      %and3A_54 = vector.broadcast %and3A_53 : i32 to vector<16xi32>
      %and3A_55 = arith.andi %get3A_52, %and3A_54 : vector<16xi32>
      %swap3A_56 = arith.index_cast %scan3A_32 : i32 to index
      %swap3A_57 = arith.constant 16 : index
      %swap3A_58 = tpu.vector_load %arg6[%swap3A_56, %swap3A_57] {strides = array<i32>} : memref<79x128xi32, #tpu.memory_space<vmem>>, vector<1x16xi32>,
      %swap3A_59 = vector.shape_cast %swap3A_58 : vector<1x16xi32> to vector<16xi32>
      %swap3A_60 = vector.shape_cast %and3A_55 : vector<16xi32> to vector<1x16xi32>
      tpu.vector_store %arg6[%swap3A_56, %swap3A_57], %swap3A_60 {strides = array<i32>} : memref<79x128xi32, #tpu.memory_space<vmem>>, vector<1x16xi32>,
      %shift_right_logical3A_61 = arith.constant 16 : i32
      %shift_right_logical3A_62 = vector.broadcast %shift_right_logical3A_61 : i32 to vector<16xi32>
      %shift_right_logical3A_63 = arith.shrui %get3A_52, %shift_right_logical3A_62 : vector<16xi32>
      %swap3A_64 = arith.index_cast %scan3A_32 : i32 to index
      %swap3A_65 = arith.constant 16 : index
      %swap3A_66 = tpu.vector_load %arg5[%swap3A_64, %swap3A_65] {strides = array<i32>} : memref<79x128xi32, #tpu.memory_space<vmem>>, vector<1x16xi32>,
      %swap3A_67 = vector.shape_cast %swap3A_66 : vector<1x16xi32> to vector<16xi32>
      %swap3A_68 = vector.shape_cast %shift_right_logical3A_63 : vector<16xi32> to vector<1x16xi32>
      tpu.vector_store %arg5[%swap3A_64, %swap3A_65], %swap3A_68 {strides = array<i32>} : memref<79x128xi32, #tpu.memory_space<vmem>>, vector<1x16xi32>,
      %get3A_69 = arith.index_cast %scan3A_32 : i32 to index
      %get3A_70 = arith.constant 32 : index
      %get3A_71 = tpu.vector_load %arg5[%get3A_69, %get3A_70] {strides = array<i32>} : memref<79x128xi32, #tpu.memory_space<vmem>>, vector<1x16xi32>,
      %get3A_72 = vector.shape_cast %get3A_71 : vector<1x16xi32> to vector<16xi32>
      %and3A_73 = arith.constant 65535 : i32
      %and3A_74 = vector.broadcast %and3A_73 : i32 to vector<16xi32>
      %and3A_75 = arith.andi %get3A_72, %and3A_74 : vector<16xi32>
      %swap3A_76 = arith.index_cast %scan3A_32 : i32 to index
      %swap3A_77 = arith.constant 32 : index
      %swap3A_78 = tpu.vector_load %arg6[%swap3A_76, %swap3A_77] {strides = array<i32>} : memref<79x128xi32, #tpu.memory_space<vmem>>, vector<1x16xi32>,
      %swap3A_79 = vector.shape_cast %swap3A_78 : vector<1x16xi32> to vector<16xi32>
      %swap3A_80 = vector.shape_cast %and3A_75 : vector<16xi32> to vector<1x16xi32>
      tpu.vector_store %arg6[%swap3A_76, %swap3A_77], %swap3A_80 {strides = array<i32>} : memref<79x128xi32, #tpu.memory_space<vmem>>, vector<1x16xi32>,
      %shift_right_logical3A_81 = arith.constant 16 : i32
      %shift_right_logical3A_82 = vector.broadcast %shift_right_logical3A_81 : i32 to vector<16xi32>
      %shift_right_logical3A_83 = arith.shrui %get3A_72, %shift_right_logical3A_82 : vector<16xi32>
      %swap3A_84 = arith.index_cast %scan3A_32 : i32 to index
      %swap3A_85 = arith.constant 32 : index
      %swap3A_86 = tpu.vector_load %arg5[%swap3A_84, %swap3A_85] {strides = array<i32>} : memref<79x128xi32, #tpu.memory_space<vmem>>, vector<1x16xi32>,
      %swap3A_87 = vector.shape_cast %swap3A_86 : vector<1x16xi32> to vector<16xi32>
      %swap3A_88 = vector.shape_cast %shift_right_logical3A_83 : vector<16xi32> to vector<1x16xi32>
      tpu.vector_store %arg5[%swap3A_84, %swap3A_85], %swap3A_88 {strides = array<i32>} : memref<79x128xi32, #tpu.memory_space<vmem>>, vector<1x16xi32>,
      %get3A_89 = arith.index_cast %scan3A_32 : i32 to index
      %get3A_90 = arith.constant 48 : index
      %get3A_91 = tpu.vector_load %arg5[%get3A_89, %get3A_90] {strides = array<i32>} : memref<79x128xi32, #tpu.memory_space<vmem>>, vector<1x16xi32>,
      %get3A_92 = vector.shape_cast %get3A_91 : vector<1x16xi32> to vector<16xi32>
      %and3A_93 = arith.constant 65535 : i32
      %and3A_94 = vector.broadcast %and3A_93 : i32 to vector<16xi32>
      %and3A_95 = arith.andi %get3A_92, %and3A_94 : vector<16xi32>
      %swap3A_96 = arith.index_cast %scan3A_32 : i32 to index
      %swap3A_97 = arith.constant 48 : index
      %swap3A_98 = tpu.vector_load %arg6[%swap3A_96, %swap3A_97] {strides = array<i32>} : memref<79x128xi32, #tpu.memory_space<vmem>>, vector<1x16xi32>,
      %swap3A_99 = vector.shape_cast %swap3A_98 : vector<1x16xi32> to vector<16xi32>
      %swap3A_100 = vector.shape_cast %and3A_95 : vector<16xi32> to vector<1x16xi32>
      tpu.vector_store %arg6[%swap3A_96, %swap3A_97], %swap3A_100 {strides = array<i32>} : memref<79x128xi32, #tpu.memory_space<vmem>>, vector<1x16xi32>,
      %shift_right_logical3A_101 = arith.constant 16 : i32
      %shift_right_logical3A_102 = vector.broadcast %shift_right_logical3A_101 : i32 to vector<16xi32>
      %shift_right_logical3A_103 = arith.shrui %get3A_92, %shift_right_logical3A_102 : vector<16xi32>
      %swap3A_104 = arith.index_cast %scan3A_32 : i32 to index
      %swap3A_105 = arith.constant 48 : index
      %swap3A_106 = tpu.vector_load %arg5[%swap3A_104, %swap3A_105] {strides = array<i32>} : memref<79x128xi32, #tpu.memory_space<vmem>>, vector<1x16xi32>,
      %swap3A_107 = vector.shape_cast %swap3A_106 : vector<1x16xi32> to vector<16xi32>
      %swap3A_108 = vector.shape_cast %shift_right_logical3A_103 : vector<16xi32> to vector<1x16xi32>
      tpu.vector_store %arg5[%swap3A_104, %swap3A_105], %swap3A_108 {strides = array<i32>} : memref<79x128xi32, #tpu.memory_space<vmem>>, vector<1x16xi32>,
      %get3A_109 = arith.index_cast %scan3A_32 : i32 to index
      %get3A_110 = arith.constant 64 : index
      %get3A_111 = tpu.vector_load %arg5[%get3A_109, %get3A_110] {strides = array<i32>} : memref<79x128xi32, #tpu.memory_space<vmem>>, vector<1x16xi32>,
      %get3A_112 = vector.shape_cast %get3A_111 : vector<1x16xi32> to vector<16xi32>
      %and3A_113 = arith.constant 65535 : i32
      %and3A_114 = vector.broadcast %and3A_113 : i32 to vector<16xi32>
      %and3A_115 = arith.andi %get3A_112, %and3A_114 : vector<16xi32>
      %swap3A_116 = arith.index_cast %scan3A_32 : i32 to index
      %swap3A_117 = arith.constant 64 : index
      %swap3A_118 = tpu.vector_load %arg6[%swap3A_116, %swap3A_117] {strides = array<i32>} : memref<79x128xi32, #tpu.memory_space<vmem>>, vector<1x16xi32>,
      %swap3A_119 = vector.shape_cast %swap3A_118 : vector<1x16xi32> to vector<16xi32>
      %swap3A_120 = vector.shape_cast %and3A_115 : vector<16xi32> to vector<1x16xi32>
      tpu.vector_store %arg6[%swap3A_116, %swap3A_117], %swap3A_120 {strides = array<i32>} : memref<79x128xi32, #tpu.memory_space<vmem>>, vector<1x16xi32>,
      %shift_right_logical3A_121 = arith.constant 16 : i32
      %shift_right_logical3A_122 = vector.broadcast %shift_right_logical3A_121 : i32 to vector<16xi32>
      %shift_right_logical3A_123 = arith.shrui %get3A_112, %shift_right_logical3A_122 : vector<16xi32>
      %swap3A_124 = arith.index_cast %scan3A_32 : i32 to index
      %swap3A_125 = arith.constant 64 : index
      %swap3A_126 = tpu.vector_load %arg5[%swap3A_124, %swap3A_125] {strides = array<i32>} : memref<79x128xi32, #tpu.memory_space<vmem>>, vector<1x16xi32>,
      %swap3A_127 = vector.shape_cast %swap3A_126 : vector<1x16xi32> to vector<16xi32>
      %swap3A_128 = vector.shape_cast %shift_right_logical3A_123 : vector<16xi32> to vector<1x16xi32>
      tpu.vector_store %arg5[%swap3A_124, %swap3A_125], %swap3A_128 {strides = array<i32>} : memref<79x128xi32, #tpu.memory_space<vmem>>, vector<1x16xi32>,
      %get3A_129 = arith.index_cast %scan3A_32 : i32 to index
      %get3A_130 = arith.constant 80 : index
      %get3A_131 = tpu.vector_load %arg5[%get3A_129, %get3A_130] {strides = array<i32>} : memref<79x128xi32, #tpu.memory_space<vmem>>, vector<1x16xi32>,
      %get3A_132 = vector.shape_cast %get3A_131 : vector<1x16xi32> to vector<16xi32>
      %and3A_133 = arith.constant 65535 : i32
      %and3A_134 = vector.broadcast %and3A_133 : i32 to vector<16xi32>
      %and3A_135 = arith.andi %get3A_132, %and3A_134 : vector<16xi32>
      %swap3A_136 = arith.index_cast %scan3A_32 : i32 to index
      %swap3A_137 = arith.constant 80 : index
      %swap3A_138 = tpu.vector_load %arg6[%swap3A_136, %swap3A_137] {strides = array<i32>} : memref<79x128xi32, #tpu.memory_space<vmem>>, vector<1x16xi32>,
      %swap3A_139 = vector.shape_cast %swap3A_138 : vector<1x16xi32> to vector<16xi32>
      %swap3A_140 = vector.shape_cast %and3A_135 : vector<16xi32> to vector<1x16xi32>
      tpu.vector_store %arg6[%swap3A_136, %swap3A_137], %swap3A_140 {strides = array<i32>} : memref<79x128xi32, #tpu.memory_space<vmem>>, vector<1x16xi32>,
      %shift_right_logical3A_141 = arith.constant 16 : i32
      %shift_right_logical3A_142 = vector.broadcast %shift_right_logical3A_141 : i32 to vector<16xi32>
      %shift_right_logical3A_143 = arith.shrui %get3A_132, %shift_right_logical3A_142 : vector<16xi32>
      %swap3A_144 = arith.index_cast %scan3A_32 : i32 to index
      %swap3A_145 = arith.constant 80 : index
      %swap3A_146 = tpu.vector_load %arg5[%swap3A_144, %swap3A_145] {strides = array<i32>} : memref<79x128xi32, #tpu.memory_space<vmem>>, vector<1x16xi32>,
      %swap3A_147 = vector.shape_cast %swap3A_146 : vector<1x16xi32> to vector<16xi32>
      %swap3A_148 = vector.shape_cast %shift_right_logical3A_143 : vector<16xi32> to vector<1x16xi32>
      tpu.vector_store %arg5[%swap3A_144, %swap3A_145], %swap3A_148 {strides = array<i32>} : memref<79x128xi32, #tpu.memory_space<vmem>>, vector<1x16xi32>,
      %get3A_149 = arith.index_cast %scan3A_32 : i32 to index
      %get3A_150 = arith.constant 96 : index
      %get3A_151 = tpu.vector_load %arg5[%get3A_149, %get3A_150] {strides = array<i32>} : memref<79x128xi32, #tpu.memory_space<vmem>>, vector<1x16xi32>,
      %get3A_152 = vector.shape_cast %get3A_151 : vector<1x16xi32> to vector<16xi32>
      %and3A_153 = arith.constant 65535 : i32
      %and3A_154 = vector.broadcast %and3A_153 : i32 to vector<16xi32>
      %and3A_155 = arith.andi %get3A_152, %and3A_154 : vector<16xi32>
      %swap3A_156 = arith.index_cast %scan3A_32 : i32 to index
      %swap3A_157 = arith.constant 96 : index
      %swap3A_158 = tpu.vector_load %arg6[%swap3A_156, %swap3A_157] {strides = array<i32>} : memref<79x128xi32, #tpu.memory_space<vmem>>, vector<1x16xi32>,
      %swap3A_159 = vector.shape_cast %swap3A_158 : vector<1x16xi32> to vector<16xi32>
      %swap3A_160 = vector.shape_cast %and3A_155 : vector<16xi32> to vector<1x16xi32>
      tpu.vector_store %arg6[%swap3A_156, %swap3A_157], %swap3A_160 {strides = array<i32>} : memref<79x128xi32, #tpu.memory_space<vmem>>, vector<1x16xi32>,
      %shift_right_logical3A_161 = arith.constant 16 : i32
      %shift_right_logical3A_162 = vector.broadcast %shift_right_logical3A_161 : i32 to vector<16xi32>
      %shift_right_logical3A_163 = arith.shrui %get3A_152, %shift_right_logical3A_162 : vector<16xi32>
      %swap3A_164 = arith.index_cast %scan3A_32 : i32 to index
      %swap3A_165 = arith.constant 96 : index
      %swap3A_166 = tpu.vector_load %arg5[%swap3A_164, %swap3A_165] {strides = array<i32>} : memref<79x128xi32, #tpu.memory_space<vmem>>, vector<1x16xi32>,
      %swap3A_167 = vector.shape_cast %swap3A_166 : vector<1x16xi32> to vector<16xi32>
      %swap3A_168 = vector.shape_cast %shift_right_logical3A_163 : vector<16xi32> to vector<1x16xi32>
      tpu.vector_store %arg5[%swap3A_164, %swap3A_165], %swap3A_168 {strides = array<i32>} : memref<79x128xi32, #tpu.memory_space<vmem>>, vector<1x16xi32>,
      %get3A_169 = arith.index_cast %scan3A_32 : i32 to index
      %get3A_170 = arith.constant 112 : index
      %get3A_171 = tpu.vector_load %arg5[%get3A_169, %get3A_170] {strides = array<i32>} : memref<79x128xi32, #tpu.memory_space<vmem>>, vector<1x16xi32>,
      %get3A_172 = vector.shape_cast %get3A_171 : vector<1x16xi32> to vector<16xi32>
      %and3A_173 = arith.constant 65535 : i32
      %and3A_174 = vector.broadcast %and3A_173 : i32 to vector<16xi32>
      %and3A_175 = arith.andi %get3A_172, %and3A_174 : vector<16xi32>
      %swap3A_176 = arith.index_cast %scan3A_32 : i32 to index
      %swap3A_177 = arith.constant 112 : index
      %swap3A_178 = tpu.vector_load %arg6[%swap3A_176, %swap3A_177] {strides = array<i32>} : memref<79x128xi32, #tpu.memory_space<vmem>>, vector<1x16xi32>,
      %swap3A_179 = vector.shape_cast %swap3A_178 : vector<1x16xi32> to vector<16xi32>
      %swap3A_180 = vector.shape_cast %and3A_175 : vector<16xi32> to vector<1x16xi32>
      tpu.vector_store %arg6[%swap3A_176, %swap3A_177], %swap3A_180 {strides = array<i32>} : memref<79x128xi32, #tpu.memory_space<vmem>>, vector<1x16xi32>,
      %shift_right_logical3A_181 = arith.constant 16 : i32
      %shift_right_logical3A_182 = vector.broadcast %shift_right_logical3A_181 : i32 to vector<16xi32>
      %shift_right_logical3A_183 = arith.shrui %get3A_172, %shift_right_logical3A_182 : vector<16xi32>
      %swap3A_184 = arith.index_cast %scan3A_32 : i32 to index
      %swap3A_185 = arith.constant 112 : index
      %swap3A_186 = tpu.vector_load %arg5[%swap3A_184, %swap3A_185] {strides = array<i32>} : memref<79x128xi32, #tpu.memory_space<vmem>>, vector<1x16xi32>,
      %swap3A_187 = vector.shape_cast %swap3A_186 : vector<1x16xi32> to vector<16xi32>
      %swap3A_188 = vector.shape_cast %shift_right_logical3A_183 : vector<16xi32> to vector<1x16xi32>
      tpu.vector_store %arg5[%swap3A_184, %swap3A_185], %swap3A_188 {strides = array<i32>} : memref<79x128xi32, #tpu.memory_space<vmem>>, vector<1x16xi32>,
    }
    %scan3A_24 = arith.constant 79 : i32
    %barrier3A = arith.constant 0 : index
    tpu.barrier barrier_id(%barrier3A)
    %scan3A_25 = arith.constant 0 : i32
    %scan3A_26 = arith.constant 0 : i32
    %scan3A_27 = arith.constant 79 : i32
    %scan3A_28 = arith.addi %scan3A_26, %scan3A_27 : i32
    %scan3A_29 = arith.constant 1 : i32
    scf.for %scan3A_32 = %scan3A_26 to %scan3A_28 step %scan3A_29  : i32 {
      %dma_start3A = arith.constant 0 : i32
      %dma_start3A_33 = tpu.memref_slice %arg5[%scan3A_32, %dma_start3A] : memref<79x128xi32, #tpu.memory_space<vmem>> -> memref<1x128xi32, #tpu.memory_space<vmem>>
      %dma_start3A_34 = tpu.memref_squeeze %dma_start3A_33 : memref<1x128xi32, #tpu.memory_space<vmem>> -> memref<128xi32, #tpu.memory_space<vmem>>
      %dma_start3A_35 = arith.constant 0 : i32
      %dma_start3A_36 = arith.constant 0 : i32
      %dma_start3A_37 = tpu.memref_slice %arg2[%dma_start3A_35, %dma_start3A_36] : memref<10000x128xf32, #tpu.memory_space<hbm>> -> memref<10000x128xf32, #tpu.memory_space<hbm>>
      tpu.enqueue_indirect_dma source(%dma_start3A_37 : memref<10000x128xf32, #tpu.memory_space<hbm>>) target(%arg7 : memref<128x128xf32, #tpu.memory_space<vmem>>) offsets(%dma_start3A_34 : memref<128xi32, #tpu.memory_space<vmem>>) semaphore(%arg9 : memref<!tpu.dma_semaphore, #tpu.memory_space<semaphore_mem>>)
      %dma_wait3A = arith.constant 0 : i32
      %dma_wait3A_38 = tpu.memref_slice %arg5[%scan3A_32, %dma_wait3A] : memref<79x128xi32, #tpu.memory_space<vmem>> -> memref<1x128xi32, #tpu.memory_space<vmem>>
      %dma_wait3A_39 = tpu.memref_squeeze %dma_wait3A_38 : memref<1x128xi32, #tpu.memory_space<vmem>> -> memref<128xi32, #tpu.memory_space<vmem>>
      %dma_wait3A_40 = arith.constant 0 : i32
      %dma_wait3A_41 = arith.constant 0 : i32
      %dma_wait3A_42 = tpu.memref_slice %arg2[%dma_wait3A_40, %dma_wait3A_41] : memref<10000x128xf32, #tpu.memory_space<hbm>> -> memref<10000x128xf32, #tpu.memory_space<hbm>>
      tpu.wait_indirect_dma semaphore(%arg9 : memref<!tpu.dma_semaphore, #tpu.memory_space<semaphore_mem>>) src(%dma_wait3A_42 : memref<10000x128xf32, #tpu.memory_space<hbm>>) dst(%arg7 : memref<128x128xf32, #tpu.memory_space<vmem>>)
      "tpu.region"() ({
        %run_scoped3A = tpu.sem_alloc : memref<!tpu.dma_semaphore, #tpu.memory_space<semaphore_mem>>
        %dma_start3A_43 = arith.constant 0 : i32
        %dma_start3A_44 = tpu.memref_slice %arg6[%scan3A_32, %dma_start3A_43] : memref<79x128xi32, #tpu.memory_space<vmem>> -> memref<1x128xi32, #tpu.memory_space<vmem>>
        %dma_start3A_45 = tpu.memref_squeeze %dma_start3A_44 : memref<1x128xi32, #tpu.memory_space<vmem>> -> memref<128xi32, #tpu.memory_space<vmem>>
        %dma_start3A_46 = arith.constant 0 : i32
        %dma_start3A_47 = arith.constant 0 : i32
        %dma_start3A_48 = tpu.memref_slice %arg8[%dma_start3A_46, %dma_start3A_47] : memref<10240x128xf32, #tpu.memory_space<vmem_shared>> -> memref<10240x128xf32, #tpu.memory_space<vmem_shared>>
        tpu.enqueue_indirect_dma source(%arg7 : memref<128x128xf32, #tpu.memory_space<vmem>>) target(%dma_start3A_48 : memref<10240x128xf32, #tpu.memory_space<vmem_shared>>) offsets(%dma_start3A_45 : memref<128xi32, #tpu.memory_space<vmem>>) semaphore(%run_scoped3A : memref<!tpu.dma_semaphore, #tpu.memory_space<semaphore_mem>>) {add = true}
        %dma_wait3A_49 = arith.constant 0 : i32
        %dma_wait3A_50 = tpu.memref_slice %arg6[%scan3A_32, %dma_wait3A_49] : memref<79x128xi32, #tpu.memory_space<vmem>> -> memref<1x128xi32, #tpu.memory_space<vmem>>
        %dma_wait3A_51 = tpu.memref_squeeze %dma_wait3A_50 : memref<1x128xi32, #tpu.memory_space<vmem>> -> memref<128xi32, #tpu.memory_space<vmem>>
        %dma_wait3A_52 = arith.constant 0 : i32
        %dma_wait3A_53 = arith.constant 0 : i32
        %dma_wait3A_54 = tpu.memref_slice %arg8[%dma_wait3A_52, %dma_wait3A_53] : memref<10240x128xf32, #tpu.memory_space<vmem_shared>> -> memref<10240x128xf32, #tpu.memory_space<vmem_shared>>
        tpu.wait_indirect_dma semaphore(%run_scoped3A : memref<!tpu.dma_semaphore, #tpu.memory_space<semaphore_mem>>) src(%arg7 : memref<128x128xf32, #tpu.memory_space<vmem>>) dst(%dma_wait3A_54 : memref<10240x128xf32, #tpu.memory_space<vmem_shared>>)
        tpu.yield
      }) : () -> ()
    }
    %scan3A_30 = arith.constant 79 : i32
    %barrier3A_31 = arith.constant 0 : index
    tpu.barrier barrier_id(%barrier3A_31)
    "tpu.region"() ({
      %run_scoped3A = tpu.sem_alloc : memref<!tpu.dma_semaphore, #tpu.memory_space<semaphore_mem>>
      %dma_start3A = arith.constant 0 : i32
      %dma_start3A_32 = tpu.memref_slice %arg4[%arg0, %mul3A_8, %dma_start3A] : memref<2x10240x128xf32, #tpu.memory_space<hbm>> -> memref<1x640x128xf32, #tpu.memory_space<hbm>>
      %dma_start3A_33 = tpu.memref_squeeze %dma_start3A_32 : memref<1x640x128xf32, #tpu.memory_space<hbm>> -> memref<640x128xf32, #tpu.memory_space<hbm>>
      %dma_start3A_34 = arith.constant 0 : i32
      %dma_start3A_35 = tpu.memref_slice %arg8[%mul3A_8, %dma_start3A_34] : memref<10240x128xf32, #tpu.memory_space<vmem_shared>> -> memref<640x128xf32, #tpu.memory_space<vmem_shared>>
      tpu.enqueue_dma source(%dma_start3A_35 : memref<640x128xf32, #tpu.memory_space<vmem_shared>>) target(%dma_start3A_33 : memref<640x128xf32, #tpu.memory_space<hbm>>) target_semaphore(%run_scoped3A : memref<!tpu.dma_semaphore, #tpu.memory_space<semaphore_mem>>)
      %dma_wait3A = arith.constant 0 : i32
      %dma_wait3A_36 = tpu.memref_slice %arg4[%arg0, %mul3A_8, %dma_wait3A] : memref<2x10240x128xf32, #tpu.memory_space<hbm>> -> memref<1x640x128xf32, #tpu.memory_space<hbm>>
      %dma_wait3A_37 = tpu.memref_squeeze %dma_wait3A_36 : memref<1x640x128xf32, #tpu.memory_space<hbm>> -> memref<640x128xf32, #tpu.memory_space<hbm>>
      %dma_wait3A_38 = arith.constant 0 : i32
      %dma_wait3A_39 = tpu.memref_slice %arg8[%mul3A_8, %dma_wait3A_38] : memref<10240x128xf32, #tpu.memory_space<vmem_shared>> -> memref<640x128xf32, #tpu.memory_space<vmem_shared>>
      tpu.wait_dma2 semaphore(%run_scoped3A : memref<!tpu.dma_semaphore, #tpu.memory_space<semaphore_mem>>) src(%dma_wait3A_39 : memref<640x128xf32, #tpu.memory_space<vmem_shared>>) dst(%dma_wait3A_37 : memref<640x128xf32, #tpu.memory_space<hbm>>)
      tpu.yield
    }) : () -> ()
    return
  }
}

module attributes {stable_mosaic.version = 14 : i64} {
  func.func @_tc_body(%arg0: i32, %arg1: memref<10000x128xf32, #tpu.memory_space<vmem>>, %arg2: memref<2x10000x128xf32, #tpu.memory_space<vmem>>, %arg3: memref<128x128xf32, #tpu.memory_space<vmem>>, %arg4: memref<1x128xf32, #tpu.memory_space<vmem>>, %arg5: memref<10000x128xf32, #tpu.memory_space<vmem>>) attributes {dimension_semantics = [#tpu.dimension_semantics<arbitrary>], iteration_bounds = array<i64: 1>, scalar_prefetch = 0 : i64, scratch_operands = 0 : i64, tpu.core_type = #tpu.core_type<tc>, window_params = [{transform_indices = @transform_0, window_bounds = array<i64: 10000, 128>}, {transform_indices = @transform_1, window_bounds = array<i64: 2, 10000, 128>}, {pipeline_mode = #tpu.pipeline_mode<synchronous>, transform_indices = @transform_2, window_bounds = array<i64: 128, 128>}, {pipeline_mode = #tpu.pipeline_mode<synchronous>, transform_indices = @transform_3, window_bounds = array<i64: 1, 128>}, {transform_indices = @transform_4, window_bounds = array<i64: 10000, 128>}]} {
    %get3A = arith.constant 0 : index
    %get3A_0 = arith.constant 0 : index
    %get3A_1 = vector.load %arg1[%get3A, %get3A_0] : memref<10000x128xf32, #tpu.memory_space<vmem>>, vector<10000x128xf32>
    %get3A_2 = arith.constant 0 : index
    %get3A_3 = arith.constant 0 : index
    %get3A_4 = arith.constant 0 : index
    %get3A_5 = vector.load %arg2[%get3A_2, %get3A_3, %get3A_4] : memref<2x10000x128xf32, #tpu.memory_space<vmem>>, vector<1x10000x128xf32>
    %get3A_6 = vector.shape_cast %get3A_5 : vector<1x10000x128xf32> to vector<10000x128xf32>
    %add3A = arith.addf %get3A_1, %get3A_6 : vector<10000x128xf32>
    %get3A_7 = arith.constant 1 : index
    %get3A_8 = arith.constant 0 : index
    %get3A_9 = arith.constant 0 : index
    %get3A_10 = vector.load %arg2[%get3A_7, %get3A_8, %get3A_9] : memref<2x10000x128xf32, #tpu.memory_space<vmem>>, vector<1x10000x128xf32>
    %get3A_11 = vector.shape_cast %get3A_10 : vector<1x10000x128xf32> to vector<10000x128xf32>
    %add3A_12 = arith.addf %add3A, %get3A_11 : vector<10000x128xf32>
    %get3A_13 = arith.constant 0 : index
    %get3A_14 = arith.constant 0 : index
    %get3A_15 = vector.load %arg3[%get3A_13, %get3A_14] : memref<128x128xf32, #tpu.memory_space<vmem>>, vector<128x128xf32>
    %dot_general3A = arith.constant dense<0.000000e+00> : vector<10000x128xf32>
    %dot_general3A_16 = tpu.matmul %add3A_12, %get3A_15, %dot_general3A {dimension_numbers = #tpu.dot_dimension_numbers<[1], [0], [0], [1], [0, 0, 1, 1], [], []>, transpose_lhs_hint = false} : vector<10000x128xf32>, vector<128x128xf32>, vector<10000x128xf32> -> vector<10000x128xf32>
    %get3A_17 = arith.constant 0 : index
    %get3A_18 = arith.constant 0 : index
    %get3A_19 = vector.load %arg4[%get3A_17, %get3A_18] : memref<1x128xf32, #tpu.memory_space<vmem>>, vector<1x128xf32>
    %add3A_20 = vector.broadcast %get3A_19 : vector<1x128xf32> to vector<10000x128xf32>
    %add3A_21 = arith.addf %dot_general3A_16, %add3A_20 : vector<10000x128xf32>
    %tanh3A = math.tanh %add3A_21 : vector<10000x128xf32>
    %swap3A = arith.constant 0 : index
    %swap3A_22 = arith.constant 0 : index
    %swap3A_23 = vector.load %arg5[%swap3A, %swap3A_22] : memref<10000x128xf32, #tpu.memory_space<vmem>>, vector<10000x128xf32>
    tpu.vector_store %arg5[%swap3A, %swap3A_22], %tanh3A {strides = array<i32>} : memref<10000x128xf32, #tpu.memory_space<vmem>>, vector<10000x128xf32>,
    return
  }
  func.func @transform_0(%arg0: i32) -> (i32, i32) {
    %c0_i32 = arith.constant 0 : i32
    %c0_i32_0 = arith.constant 0 : i32
    return %arg0, %c0_i32 : i32, i32
  }
  func.func @transform_1(%arg0: i32) -> (i32, i32, i32) {
    %c0_i32 = arith.constant 0 : i32
    %c0_i32_0 = arith.constant 0 : i32
    %c0_i32_1 = arith.constant 0 : i32
    return %c0_i32, %arg0, %c0_i32_0 : i32, i32, i32
  }
  func.func @transform_2(%arg0: i32) -> (i32, i32) {
    %c0_i32 = arith.constant 0 : i32
    %c0_i32_0 = arith.constant 0 : i32
    %c0_i32_1 = arith.constant 0 : i32
    return %c0_i32, %c0_i32_0 : i32, i32
  }
  func.func @transform_3(%arg0: i32) -> (i32, i32) {
    %c0_i32 = arith.constant 0 : i32
    %c0_i32_0 = arith.constant 0 : i32
    %c0_i32_1 = arith.constant 0 : i32
    return %c0_i32, %c0_i32_0 : i32, i32
  }
  func.func @transform_4(%arg0: i32) -> (i32, i32) {
    %c0_i32 = arith.constant 0 : i32
    %c0_i32_0 = arith.constant 0 : i32
    return %arg0, %c0_i32 : i32, i32
  }
}

</mosaic_0001>

<sc_bundles>
// kernel: kernel.4.cloned.1.call-start
scs
__scs_entry_jumppad:
0x0: {  	(pc) =	sbr.rel $0x88, $3  }
0x1: {  	(tag) =	ssettag $0x0;
	lr =	simm.s32 $0x1  }
0x2: {  	[smem:$0x3F9D] =	sst lr;
	_ =	strace $0xD0000000  }
0x3: {  	_ = 	snop  }
0x4: {  	_ = 	snop  }
0x5: {  	_ = 	snop  }
0x6: {  	_ = 	snop  }
0x7: {  	_ = 	snop  }
__scs_overlays_trampoline_lowered:
0x8: {  	[smem:$0x3FAC] =	sst s0  }
0x9: {  	[smem:$0x3FAD] =	sst s1  }
0xa: {  	[smem:$0x3FAE] =	sst s2  }
0xb: {  	[smem:$0x3FAF] =	sst s3  }
0xc: {  	[smem:$0x3FB0] =	sst s4  }
0xd: {  	[smem:$0x3FB1] =	sst s5  }
0xe: {  	[smem:$0x3FB2] =	sst s6  }
0xf: {  	[smem:$0x3FB3] =	sst s7  }
0x10: {  	[smem:$0x3FB4] =	sst s8  }
0x11: {  	[smem:$0x3FB5] =	sst s9;
	s0 =	simm.s32 @!p0 $0x0  }
0x12: {  	s1 =	sld [smem:$0x3F9B];
	s0 =	simm.s32 @p0 $0x1  }
0x13: {  	[smem:$0x3FB6] =	sst s0;
	s0 =	simm.s32 @!p1 $0x0  }
0x14: {  	s2 =	sld [smem:$0x3F9A];
	s0 =	simm.s32 @p1 $0x1  }
0x15: {  	[smem:$0x3FB7] =	sst s0;
	s0 =	simm.s32 @!p2 $0x0  }
0x16: {  	s3 =	sld [smem:$0x3FDB];
	s0 =	simm.s32 @p2 $0x1  }
0x17: {  	s4 =	simm.s32 $0x1BF5;
	[smem:$0x3FB9] =	sst s0  }
0x18: {  	s0 =	sld [smem:$0x3F9C];
	_ =	swait.ge [sflag:s4], $0x0  }
0x19: {  	s7 =	sld [smem:$0x3F9D]  }
0x1a: {  	s8 =	sadd.s32 $0xFFFFE003, lr  }
0x1b: {  	s9 =	sadd.s32 $0xFFFFFEF7, lr;
	s5 =	simm.s32 $0xFFFFFFFF;
	p2 =	slt.u32 s8, $0xFFFFF086  }
0x1c: {  	p1 =	slt.u32 s9, $0xF7A;
	s5 =	simm.s32 @!p2 $0x0  }
0x1d: {  	s5 =	simm.s32 @p1 $0x1;
	p0 =	seq.s32 s7, s2  }
0x1e: {  	s7 =	smul.u32 @!p0 $0xF7A, s2;
	p2 =	seq.s32 @!p0 s5, $0x0  }
0x1f: {  	s9 =	smul.u32 $0xF7A, s1;
	s8 =	simm.s32 @!p0 $0x1BF5;
	p2 =	por !p2, p0  }
0x20: {  	[sflag:s8] =	ssyncset.s32 @!p0 $0xFFFFF086;
	s6 =	sadd.s32 @!p0 s3, s7;
	s7 =	simm.s32 @!p0 $0x108  }
0x21: {  	s3 =	sadd.s32 s3, s9;
	s6 =	sadd.s32 @!p0 $0x88, s6;
	s7 =	simm.s32 @p2 $0x1082  }
0x22: {  	[simem:s7], [sflag:s8] =	dma.local @!p0 [hbm:s6], $0xF7A  }
0x23: {  	s9 =	sor.u32 $0xD0000000, s2;
	s6 =	simm.s32 $0x108;
	_ =	swait.ge @!p0 [sflag:s8], $0x0  }
0x24: {  	s3 =	sadd.s32 $0x88, s3;
	s6 =	simm.s32 @!p1 $0x1082;
	[sflag:s4] =	ssyncset.s32 $0xFFFFF086  }
0x25: {  	[simem:s6], [sflag:s4] =	dma.local [hbm:s3], $0xF7A  }
0x26: {  	[smem:$0x3F9D] =	sst s1;
	(tag) =	ssettag s2;
	_ =	strace s9  }
0x27: {  	s1 =	sld [smem:$0x3FAD]  }
0x28: {  	s2 =	sld [smem:$0x3FAE]  }
0x29: {  	s4 =	sld [smem:$0x3FB0]  }
0x2a: {  	p0 =	seq.s32 s5, $0x0;
	s5 =	sld [smem:$0x3FB1]  }
0x2b: {  	s6 =	sld [smem:$0x3FB2]  }
0x2c: {  	s7 =	sld [smem:$0x3FB3]  }
0x2d: {  	s3 =	simm.s32 $0x108;
	s8 =	sld [smem:$0x3FB4]  }
0x2e: {  	s3 =	simm.s32 @!p0 $0x1082;
	s9 =	sld [smem:$0x3FB5]  }
0x2f: {  	lr =	sadd.s32 s0, s3;
	s0 =	sld [smem:$0x3FAC]  }
0x30: {  	s3 =	sld [smem:$0x3FAF]  }
0x31: {  	[smem:$0x3FB8] =	sst s10  }
0x32: {  	s10 =	sld [smem:$0x3FB6];
	_ =	sdelay $0x3  }
0x33: {  	p0 =	seq.s32 s10, $0x1;
	s10 =	sld [smem:$0x3FB8];
	_ =	sdelay $0x3  }
0x34: {  	[smem:$0x3FB8] =	sst s10  }
0x35: {  	s10 =	sld [smem:$0x3FB7];
	_ =	sdelay $0x3  }
0x36: {  	p1 =	seq.s32 s10, $0x1;
	s10 =	sld [smem:$0x3FB8];
	_ =	sdelay $0x3  }
0x37: {  	[smem:$0x3FB8] =	sst s10  }
0x38: {  	s10 =	sld [smem:$0x3FB9]  }
0x39: {  	_ = 	snop;
	(pc) =	sbr.ind lr, $3  }
0x3a: {  	_ = 	snop  }
0x3b: {  	_ = 	snop  }
0x3c: {  	p2 =	seq.s32 s10, $0x1;
	s10 =	sld [smem:$0x3FB8]  }
0x3d: {  	_ =	shalt  }
0x3e: {  	_ =	shalt  }
0x3f: {  	_ =	shalt  }
0x40: {  	_ =	shalt  }
0x41: {  	_ =	shalt  }
0x42: {  	_ =	shalt  }
0x43: {  	_ =	shalt  }
0x44: {  	_ =	shalt  }
0x45: {  	_ =	shalt  }
0x46: {  	_ =	shalt  }
0x47: {  	_ =	shalt  }
0x48: {  	_ =	shalt  }
0x49: {  	_ =	shalt  }
0x4a: {  	_ =	shalt  }
0x4b: {  	_ =	shalt  }
0x4c: {  	_ =	shalt  }
0x4d: {  	_ =	shalt  }
0x4e: {  	_ =	shalt  }
0x4f: {  	_ =	shalt  }
0x50: {  	_ =	shalt  }
0x51: {  	_ =	shalt  }
0x52: {  	_ =	shalt  }
0x53: {  	_ =	shalt  }
0x54: {  	_ =	shalt  }
0x55: {  	_ =	shalt  }
0x56: {  	_ =	shalt  }
0x57: {  	_ =	shalt  }
0x58: {  	_ =	shalt  }
0x59: {  	_ =	shalt  }
0x5a: {  	_ =	shalt  }
0x5b: {  	_ =	shalt  }
0x5c: {  	_ =	shalt  }
0x5d: {  	_ =	shalt  }
0x5e: {  	_ =	shalt  }
0x5f: {  	_ =	shalt  }
0x60: {  	_ =	shalt  }
0x61: {  	_ =	shalt  }
0x62: {  	_ =	shalt  }
0x63: {  	_ =	shalt  }
0x64: {  	_ =	shalt  }
0x65: {  	_ =	shalt  }
0x66: {  	_ =	shalt  }
0x67: {  	_ =	shalt  }
0x68: {  	_ =	shalt  }
0x69: {  	_ =	shalt  }
0x6a: {  	_ =	shalt  }
0x6b: {  	_ =	shalt  }
0x6c: {  	_ =	shalt  }
0x6d: {  	_ =	shalt  }
0x6e: {  	_ =	shalt  }
0x6f: {  	_ =	shalt  }
0x70: {  	_ =	shalt  }
0x71: {  	_ =	shalt  }
0x72: {  	_ =	shalt  }
0x73: {  	_ =	shalt  }
0x74: {  	_ =	shalt  }
0x75: {  	_ =	shalt  }
0x76: {  	_ =	shalt  }
0x77: {  	_ =	shalt  }
0x78: {  	_ =	shalt  }
0x79: {  	_ =	shalt  }
0x7a: {  	_ =	shalt  }
0x7b: {  	_ =	shalt  }
0x7c: {  	_ =	shalt  }
0x7d: {  	_ =	shalt  }
0x7e: {  	_ =	shalt  }
0x7f: {  	_ =	shalt  }
0x80: {  	_ =	shalt  }
0x81: {  	_ =	shalt  }
0x82: {  	_ =	shalt  }
0x83: {  	_ =	shalt  }
0x84: {  	_ =	shalt  }
0x85: {  	_ =	shalt  }
0x86: {  	_ =	shalt  }
0x87: {  	_ =	shalt  }
.Lfunc_end0:
.L_simem_size_0:
called_computation_lowered:
.L_overlay_start_0:
0x88: {  	s2 =	sld [smem:$0x3FD9]  }
0x89: {  	s3 =	sld [smem:$0x3FFE];
	_ =	sdelay $0x1  }
0x8a: {  	s1 =	srdreg.scid  }
0x8b: {  	s0 =	sand.u32 $0x1, s1  }
0x8c: {  	s17 =	sshll.u32 s0, $0xA;
	s2 =	sadd.s32 s3, s2  }
0x8d: {  	s2 =	sadd.s32 s2, s17  }
0x8e: {  	[smem:$0x3FC4] =	sst s2  }
0x8f: {  	_ = 	snop  }
0x90: {  	s2 =	sld [smem:$0x3FC9]  }
0x91: {  	s18 =	sld [smem:$0x3FD0];
	(tm) =	ssettm $0x1  }
0x92: {  	s4 =	sld [smem:$0x3FFB];
	_ =	sdelay $0x3  }
0x93: {  	_ =	strace s4  }
0x94: {  	s4 =	sld [smem:$0x3FFC];
	_ =	sdelay $0x3  }
0x95: {  	_ =	strace s4  }
0x96: {  	s4 =	sld [smem:$0x3FFD];
	_ =	sdelay $0x3  }
0x97: {  	_ =	strace s4  }
0x98: {  	_ =	strace $0x8FFFFFFF  }
0x99: {  	s19 =	sld [smem:$0x3FDB];
	_ =	sdelay $0x1  }
0x9a: {  	s5 =	simm.s32 $_scs_section_size  }
0x9b: {  	s6 =	simm.s32 $_size__tile_overlayer_lowered;
	s7 =	simm.s32 $_tile_overlayer_lowered  }
0x9c: {  	s22 =	simm.s32 $0x1BFF;
	s21 =	sshll.u32 s7, $0x1;
	s4 =	sadd.s32 s5, s19  }
0x9d: {  	s8 =	simm.s32 $0x0;
	s20 =	sshll.u32 s6, $0x1;
	s6 =	sadd.s32 s21, s4  }
0x9e: {  	[timem:s8], [sflag:s22] =	dma.local [hbm:s6], s20  }
0x9f: {  	_ =	swait.ge [sflag:s22], s20  }
0xa0: {  	s5 =	ssub.s32 $0x0, s20;
	[sflag:s22] =	ssyncset.done $0x0  }
0xa1: {  	[sflag:s22] =	ssyncadd.s32 s5;
	_ =	sdelay $0x1  }
0xa2: {  	s23 =	simm.s32 $0x1B8B  }
0xa3: {  	_ =	swait.ge [sflag:s23], $0x1  }
0xa4: {  	[sflag:s23] =	ssyncset.done $0x0  }
0xa5: {  	s25 =	simm.s32 $0x1B8E;
	s24 =	sld [smem:$0x3FFE];
	[sflag:s23] =	ssyncadd.s32 $0xFFFFFFFF  }
0xa6: {  	s26 =	simm.s32 $execute0_lowered;
	[smem:$0x3FD2] =	sst s25  }
0xa7: {  	s6 =	sshll.u32 s26, $0x1;
	_ =	strace $0x80000046;
	[dreg:$0x1] =	wrdreg $0xFFFFFFFF  }
0xa8: {  	s28 =	simm.s32 $_size_execute0_lowered;
	s4 =	sadd.s32 s4, s6;
	[dreg:$0x0] =	wrdreg $0x0  }
0xa9: {  	s6 =	sshll.u32 s28, $0x1;
	[dreg:$0x2] =	wrdreg s4  }
0xaa: {  	[dreg:$0x3] =	wrdreg s6  }
0xab: {  	[dreg:$0x4] =	wrdreg $0xC0  }
0xac: {  	_ =	task [dreg:s8], $0x5FFFF  }
0xad: {  	[dreg:$0x1] =	wrdreg $0xFFFFFFFF  }
0xae: {  	[dreg:$0x0] =	wrdreg $0x60  }
0xaf: {  	[dreg:$0x2] =	wrdreg s2  }
0xb0: {  	[dreg:$0x3] =	wrdreg s18  }
0xb1: {  	[dreg:$0x4] =	wrdreg s24  }
0xb2: {  	[dreg:$0x5] =	wrdreg $0x90000  }
0xb3: {  	[dreg:$0x6] =	wrdreg $0x9  }
0xb4: {  	_ =	task.clear_ibuf [dreg:s8], $0x7FFFF;
	_ =	strace $0x90000046  }
0xb5: {  	s29 =	simm.s32 $0x9;
	_ =	strace $0x80000048  }
0xb6: {  	_ =	swait.ge [sflag:s29], $0x1  }
0xb7: {  	[sflag:s29] =	ssyncadd.s32 $0xFFFFFFFF  }
0xb8: {  	_ =	strace $0x90000048  }
0xb9: {  	_ =	sfence  }
0xba: {  	s30 =	sld [smem:$0x0];
	_ =	sdelay $0x2  }
0xbb: {  	s31 =	sshll.u32 s1, $0xD;
	s1 =	sshrl.u32 s1, $0x2  }
0xbc: {  	s3 =	sand.u32 $0x4000, s31;
	s1 =	sadd.s32 s1, s30  }
0xbd: {  	s0 =	sor.u32 s3, s0;
	s1 =	sshll.u32 s1, $0x11  }
0xbe: {  	s0 =	sor.u32 s1, s0  }
0xbf: {  	s0 =	sadd.s32 $0x8F2B, s0  }
0xc0: {  	[sflag:s0] =	ssyncadd.remote.s32 $0x1  }
0xc1: {  	_ =	sfence.sel $0xFFFF  }
0xc2: {  	[dreg:$0x0] =	wrdreg $0xFFFFFFFF;
	(pc) =	sbr.abs _section_cstart, $3  }
0xc3: {  	[dreg:$0x1] =	wrdreg $0xFFFFFFFF  }
0xc4: {  	_ =	task.clear_ibuf [dreg:s8], $0x2FFFF;
	_ =	strace $0x9FFFFFFF  }
0xc5: {  	(tm) =	ssettm $0x7FFFFFFF  }
tec
execute0_lowered:
.L_overlay_start_1:
0x0: {  	(tag) =	ssettag $0x1  }
0x1: {  	s1 =	rddreg [dreg:$0x0]  }
0x2: {  	s10 =	rddreg [dreg:$0x1]  }
0x3: {  	s7 =	rddreg [dreg:$0x2]  }
0x4: {  	s3 =	rddreg [dreg:$0x3]  }
0x5: {  	s0 =	srdreg.scid;
	s2 =	rddreg [dreg:$0x4]  }
0x6: {  	s4 =	simm.s32 $0x0;
	s14 =	simm.s32 $0x2;
	s5 =	sand.u32 $0x1, s0  }
0x7: {  	s15 =	simm.s32 $0x80;
	s0 =	stileid.u32;
	s6 =	smul.u32 $0x140000, s5  }
0x8: {  	s16 =	simm.s32 $0x1;
	[smem:$0x7FF] =	sst s4;
	s8 =	smul.u32 $0x14000, s0  }
0x9: {  	s26 =	smul.u32 $0x50000, s0;
	_ =	strace $0x80000047;
	s29 =	ssub.s32 $0x2, s5  }
0xa: {  	s28 =	sshll.u32 s5, $0x4;
	s17 =	sshll.u32 s0, $0x6;
	s31 =	sshrl.u32 s29, $0x1  }
0xb: {  	s17 =	sor.u32 $0x1C02, s17;
	s6 =	sadd.s32 s8, s6;
	s30 =	sshrl.u32 s26, $0x2  }
0xc: {  	s13 =	ssub.s32 s29, s31;
	s6 =	sshrl.u32 s6, $0x3;
	s5 =	sadd.s32 s30, s3  }
0xd: {  	s11 =	sadd.s32 s6, s7;
	s6 =	sor.u32 s0, s28;
	s7 =	sadd.s32 $0x8000, s5  }
0xe: {  	s8 =	sadd.s32 $0xC000, s5;
	s9 =	sadd.s32 $0x10000, s5;
	s12 =	smul.u32 $0x500, s6  }
0xf: {  	s18 =	sshrl.u32 s5, $0x3;
	s6 =	sadd.s32 $0x4000, s5;
	s11 =	sadd.s32 $0xE00, s11  }
0x10: {  	v0 =	vimm.f32 $0.0e+00;
	s10 =	sadd.s32 s10, s12;
	s12 =	smax.u32 s13, $0x1;
	s13 =	simm.s32 $0x5000  }
.LBB2_1:
0x11: {  	s19 =	simm.s32 $0x0;
	s20 =	simm.s32 $0x200  }
.LBB2_2:
0x12: {  	p0 =	sne.s32 s20, $0xFE00;
	[tilespmem:s19+$0x5070] =	vst v0  }
0x13: {  	[tilespmem:s19+$0x5000] =	vst v0  }
0x14: {  	[tilespmem:s19+$0x5010] =	vst v0  }
.Ltmp0:
0x15: {  	[tilespmem:s19+$0x5020] =	vst v0;
	(pc) =	sbr.rel @p0 .LBB2_2-.Ltmp0, $4  }
0x16: {  	[tilespmem:s19+$0x5030] =	vst v0  }
0x17: {  	[tilespmem:s19+$0x5040] =	vst v0  }
0x18: {  	[tilespmem:s19+$0x5050] =	vst v0  }
0x19: {  	[tilespmem:s19+$0x5060] =	vst v0;
	s19 =	sshra.s32 s20, $0x2;
	s20 =	sadd.s32 $0x200, s20  }
0x1a: {  	[tilespmem:s19+$0x5070] =	vst v0  }
0x1b: {  	[tilespmem:s19+$0x5000] =	vst v0  }
0x1c: {  	[tilespmem:s19+$0x5010] =	vst v0  }
0x1d: {  	[tilespmem:s19+$0x5020] =	vst v0  }
0x1e: {  	[tilespmem:s19+$0x5030] =	vst v0  }
0x1f: {  	[tilespmem:s19+$0x5040] =	vst v0  }
0x20: {  	[tilespmem:s19+$0x5050] =	vst v0  }
0x21: {  	[tilespmem:s19+$0x5060] =	vst v0  }
0x22: {  	[spmem:s5] =	stream.linear.scatter [tilespmem:s13], [sflag:$0x2], $0x4000, $0x38;
	[tilespmem:$0x1D000] =	vst v63  }
0x23: {  	_ =	swait.ge [sflag:s14], $0x4000  }
0x24: {  	[sflag:s14] =	ssyncset.done $0x0  }
0x25: {  	[sflag:s14] =	ssyncadd.s32 $0xFFFFC000  }
0x26: {  	[spmem:s6] =	stream.linear.scatter [tilespmem:s13], [sflag:$0x2], $0x4000, $0x38;
	[tilespmem:$0x1D000] =	vst v63  }
0x27: {  	_ =	swait.ge [sflag:s14], $0x4000  }
0x28: {  	[sflag:s14] =	ssyncset.done $0x0  }
0x29: {  	[sflag:s14] =	ssyncadd.s32 $0xFFFFC000  }
0x2a: {  	[spmem:s7] =	stream.linear.scatter [tilespmem:s13], [sflag:$0x2], $0x4000, $0x38;
	[tilespmem:$0x1D000] =	vst v63  }
0x2b: {  	_ =	swait.ge [sflag:s14], $0x4000  }
0x2c: {  	[sflag:s14] =	ssyncset.done $0x0  }
0x2d: {  	[sflag:s14] =	ssyncadd.s32 $0xFFFFC000  }
0x2e: {  	[spmem:s8] =	stream.linear.scatter [tilespmem:s13], [sflag:$0x2], $0x4000, $0x38;
	[tilespmem:$0x1D000] =	vst v63  }
0x2f: {  	_ =	swait.ge [sflag:s14], $0x4000  }
0x30: {  	[sflag:s14] =	ssyncset.done $0x0  }
0x31: {  	[sflag:s14] =	ssyncadd.s32 $0xFFFFC000  }
0x32: {  	[spmem:s9] =	stream.linear.scatter [tilespmem:s13], [sflag:$0x2], $0x4000, $0x38;
	[tilespmem:$0x1D000] =	vst v63  }
0x33: {  	_ =	swait.ge [sflag:s14], $0x4000  }
0x34: {  	[sflag:s14] =	ssyncset.done $0x0  }
0x35: {  	s31 =	simm.s32 $0x0;
	[sflag:s14] =	ssyncadd.s32 $0xFFFFC000  }
0x36: {  	[tilespmem:s31], [sflag:$0x2] =	stream.linear.gather [hbm4b:s10+s31], $0x2780, $0x38;
	[tilespmem:$0x1D000] =	vst v63  }
0x37: {  	_ =	swait.ge [sflag:s14], $0x2780  }
0x38: {  	[sflag:s14] =	ssyncset.done $0x0  }
0x39: {  	s19 =	simm.s32 $0x0;
	[sflag:s14] =	ssyncadd.s32 $0xFFFFD880  }
0x3a: {  	v1 =	vld [tilespmem:s19+$0x0]  }
0x3b: {  	v7 =	vld [tilespmem:s19+$0x10]  }
0x3c: {  	v6 =	vld [tilespmem:s19+$0x20]  }
0x3d: {  	v5 =	vld [tilespmem:s19+$0x30]  }
0x3e: {  	v3 =	vld [tilespmem:s19+$0x40]  }
0x3f: {  	v4 =	vld [tilespmem:s19+$0x50];
	v2 =	vshrl.u32 v1, $0x10  }
0x40: {  	s20 =	simm.s32 $0x200;
	v1 =	vand.u32 $0xFFFF, v1;
	v8 =	vshrl.u32 v7, $0x10;
	[tilespmem:s19+$0x0] =	vst v2;
	v2 =	vand.u32 $0xFFFF, v7;
	v7 =	vld [tilespmem:s19+$0x60]  }
.LBB2_4:
0x41: {  	p0 =	sne.s32 s20, $0x9C00;
	[tilespmem:s19+$0x10] =	vst v8;
	v8 =	vand.u32 $0xFFFF, v6;
	v6 =	vshrl.u32 v6, $0x10;
	v9 =	vld [tilespmem:s19+$0x70]  }
0x42: {  	[tilespmem:s19+$0x20] =	vst v6;
	v6 =	vand.u32 $0xFFFF, v5;
	v5 =	vshrl.u32 v5, $0x10  }
0x43: {  	[tilespmem:s19+$0x30] =	vst v5;
	v5 =	vand.u32 $0xFFFF, v3;
	v3 =	vshrl.u32 v3, $0x10  }
0x44: {  	[tilespmem:s19+$0x40] =	vst v3;
	v3 =	vand.u32 $0xFFFF, v4;
	v4 =	vshrl.u32 v4, $0x10  }
0x45: {  	[tilespmem:s19+$0x50] =	vst v4;
	v4 =	vand.u32 $0xFFFF, v7;
	v7 =	vshrl.u32 v7, $0x10  }
0x46: {  	[tilespmem:s19+$0x60] =	vst v7;
	v7 =	vand.u32 $0xFFFF, v9;
	v9 =	vshrl.u32 v9, $0x10  }
0x47: {  	[tilespmem:s19+$0x70] =	vst v9  }
0x48: {  	[tilespmem:s19+$0x2800] =	vst v1  }
0x49: {  	s21 =	sshra.s32 s20, $0x2;
	[tilespmem:s19+$0x2810] =	vst v2  }
0x4a: {  	v2 =	vld [tilespmem:s21+$0x0];
	[tilespmem:s19+$0x2820] =	vst v8  }
0x4b: {  	v8 =	vld [tilespmem:s21+$0x10];
	[tilespmem:s19+$0x2830] =	vst v6  }
.Ltmp1:
0x4c: {  	v6 =	vld [tilespmem:s21+$0x20];
	[tilespmem:s19+$0x2840] =	vst v5;
	(pc) =	sbr.rel @p0 .LBB2_4-.Ltmp1, $4  }
0x4d: {  	v5 =	vld [tilespmem:s21+$0x30];
	[tilespmem:s19+$0x2850] =	vst v3  }
0x4e: {  	v3 =	vld [tilespmem:s21+$0x40];
	[tilespmem:s19+$0x2860] =	vst v4  }
0x4f: {  	v1 =	vand.u32 $0xFFFF, v2;
	v2 =	vshrl.u32 v2, $0x10;
	v4 =	vld [tilespmem:s21+$0x50];
	[tilespmem:s19+$0x2870] =	vst v7;
	s19 =	smov.u32 s21  }
0x50: {  	s20 =	sadd.s32 $0x200, s20;
	[tilespmem:s19+$0x0] =	vst v2;
	v2 =	vand.u32 $0xFFFF, v8;
	v8 =	vshrl.u32 v8, $0x10;
	v7 =	vld [tilespmem:s19+$0x60]  }
0x51: {  	[tilespmem:s19+$0x10] =	vst v8  }
0x52: {  	[tilespmem:s19+$0x2800] =	vst v1  }
0x53: {  	v58 =	vshrl.u32 v6, $0x10;
	[tilespmem:s19+$0x2810] =	vst v2  }
0x54: {  	v1 =	vand.u32 $0xFFFF, v6;
	[tilespmem:s19+$0x20] =	vst v58  }
0x55: {  	v59 =	vshrl.u32 v5, $0x10;
	[tilespmem:s19+$0x2820] =	vst v1  }
0x56: {  	v2 =	vand.u32 $0xFFFF, v5;
	[tilespmem:s19+$0x30] =	vst v59  }
0x57: {  	v60 =	vshrl.u32 v3, $0x10;
	[tilespmem:s19+$0x2830] =	vst v2  }
0x58: {  	v9 =	vld [tilespmem:s19+$0x70];
	v1 =	vand.u32 $0xFFFF, v3;
	[tilespmem:s19+$0x40] =	vst v60  }
0x59: {  	v61 =	vshrl.u32 v4, $0x10;
	[tilespmem:s19+$0x2840] =	vst v1  }
0x5a: {  	v2 =	vand.u32 $0xFFFF, v4;
	[tilespmem:s19+$0x50] =	vst v61  }
0x5b: {  	v62 =	vshrl.u32 v7, $0x10;
	[tilespmem:s19+$0x2850] =	vst v2  }
0x5c: {  	v1 =	vand.u32 $0xFFFF, v7;
	[tilespmem:s19+$0x60] =	vst v62  }
0x5d: {  	v63 =	vshrl.u32 v9, $0x10;
	[tilespmem:s19+$0x2860] =	vst v1  }
0x5e: {  	v2 =	vand.u32 $0xFFFF, v9;
	[tilespmem:s19+$0x70] =	vst v63  }
0x5f: {  	[tilespmem:s19+$0x2870] =	vst v2  }
0x60: {  	s30 =	simm.s32 $0x0;
	[bflag:$0x0] =	sbarrier.arrive $0xFFFF  }
0x61: {  	[tilespmem:s13], [sflag:$0x1] =	stream.indirect.gather [hbm4b:s1+s15], $0x80, s30, s15, $0xb8;
	[tilespmem:$0x1D000] =	vst v63  }
0x62: {  	_ =	swait.ge [sflag:s16], $0x4000  }
0x63: {  	[sflag:s16] =	ssyncset.done $0x0  }
0x64: {  	s31 =	simm.s32 $0x2800;
	[sflag:s16] =	ssyncadd.s32 $0xFFFFC000  }
0x65: {  	[spmem:s3] =	stream.indirect.scatter.add.f32 [tilespmem:s13], [sflag:$0x2], $0x80, s31, s15, $0xb8;
	[tilespmem:$0x1D000] =	vst v63  }
0x66: {  	_ =	swait.ge [sflag:s14], $0x4000  }
0x67: {  	s20 =	simm.s32 $0x400;
	s19 =	simm.s32 $0x200;
	[sflag:s14] =	ssyncset.done $0x0  }
.LBB2_6:
0x68: {  	s21 =	sshra.s32 s19, $0x2  }
0x69: {  	[sflag:s14] =	ssyncadd.s32 $0xFFFFC000;
	s19 =	smov.u32 s20;
	s22 =	sadd.s32 $0x200, s20  }
0x6a: {  	[tilespmem:s13], [sflag:$0x1] =	stream.indirect.gather [hbm4b:s1+s15], $0x80, s21, s15, $0xb8;
	[tilespmem:$0x1D000] =	vst v63  }
0x6b: {  	p0 =	sne.s32 s20, $0x9C00;
	_ =	swait.ge [sflag:s16], $0x4000  }
.Ltmp2:
0x6c: {  	[sflag:s16] =	ssyncset.done $0x0;
	(pc) =	sbr.rel @p0 .LBB2_6-.Ltmp2, $4  }
0x6d: {  	s20 =	sadd.s32 $0x2800, s21;
	[sflag:s16] =	ssyncadd.s32 $0xFFFFC000  }
0x6e: {  	[spmem:s3] =	stream.indirect.scatter.add.f32 [tilespmem:s13], [sflag:$0x2], $0x80, s20, s15, $0xb8;
	[tilespmem:$0x1D000] =	vst v63  }
0x6f: {  	_ =	swait.ge [sflag:s14], $0x4000  }
0x70: {  	s20 =	smov.u32 s22;
	[sflag:s14] =	ssyncset.done $0x0  }
0x71: {  	s19 =	sshra.s32 s19, $0x2;
	[sflag:s14] =	ssyncadd.s32 $0xFFFFC000  }
0x72: {  	[tilespmem:s13], [sflag:$0x1] =	stream.indirect.gather [hbm4b:s1+s15], $0x80, s19, s15, $0xb8;
	[tilespmem:$0x1D000] =	vst v63  }
0x73: {  	_ =	swait.ge [sflag:s16], $0x4000  }
0x74: {  	[sflag:s16] =	ssyncset.done $0x0  }
0x75: {  	s19 =	sadd.s32 $0x2800, s19;
	[sflag:s16] =	ssyncadd.s32 $0xFFFFC000  }
0x76: {  	[spmem:s3] =	stream.indirect.scatter.add.f32 [tilespmem:s13], [sflag:$0x2], $0x80, s19, s15, $0xb8;
	[tilespmem:$0x1D000] =	vst v63  }
0x77: {  	_ =	swait.ge [sflag:s14], $0x4000  }
0x78: {  	s4 =	sadd.s32 $0x1, s4;
	[sflag:s14] =	ssyncset.done $0x0  }
0x79: {  	p0 =	sne.s32 s4, s12;
	[sflag:s14] =	ssyncadd.s32 $0xFFFFC000  }
.Ltmp3:
0x7a: {  	[bflag:$0x0] =	sbarrier.arrive $0xFFFF;
	(pc) =	sbr.rel @p0 .LBB2_1-.Ltmp3, $4  }
0x7b: {  	[hbm:s11], [sflag:s17] =	dma.local [spmem:s18], $0x2800  }
0x7c: {  	_ =	swait.ge [sflag:s14], $0x2800  }
0x7d: {  	[sflag:s14] =	ssyncset.done $0x0  }
0x7e: {  	[sflag:s14] =	ssyncadd.s32 $0xFFFFD800  }
0x7f: {  	_ =	sfence.sel $0x180000  }
0x80: {  	[bflag:$0x0] =	sbarrier.arrive $0xFFFF  }
0x81: {  	p0 =	sne.s32 s0, $0x0;
	_ =	strace $0x90000047  }
0x82: {  	s0 =	sadd.s32 @!p0 $0x100000, s2;
	[bflag:$0x2] =	sbarrier.arrive $0xFFFF  }
0x83: {  	[sflag:s0] =	ssyncadd.tile.s32 @!p0 $0x1;
	_ =	shalt  }
.Lfunc_end2:
_tile_overlayer_lowered:
.L_overlay_start_2:
0x84: {  	(tag) =	ssettag $0x2  }
0x85: {  	s0 =	rddreg [dreg:$0x0];
	s2 =	stileid.u32  }
0x86: {  	s1 =	rddreg [dreg:$0x1];
	p0 =	sne.s32 s2, $0x0  }
0x87: {  	s3 =	rddreg [dreg:$0x2];
	[bflag:$0x3] =	sbarrier.arrive $0xFFFF;
	s2 =	simm.s32 @!p0 $0x1C02  }
0x88: {  	[timem:s3], [sflag:s2] =	dma.local @!p0 [hbm:s0], s1  }
0x89: {  	s0 =	simm.s32 @!p0 $0x2  }
0x8a: {  	_ =	swait.ge @!p0 [sflag:s0], s1  }
0x8b: {  	s1 =	ssub.s32 @!p0 $0x0, s1;
	[sflag:s0] =	ssyncset.done @!p0 $0x0  }
0x8c: {  	[sflag:s0] =	ssyncadd.s32 @!p0 s1  }
0x8d: {  	[bflag:$0x3] =	sbarrier.arrive $0xFFFF  }
0x8e: {  	_ =	shalt  }

</sc_bundles>
